<compile_context>
chip_gen: v7x
topology: tpu7x:2x2x1
jax: 0.10.2.dev20260603
libtpu: 0.0.44.dev20260713+nightly
codegen_flags: <defaults>
</compile_context>

<pallas_src>
import jax
import jax.numpy as jnp
from jax.experimental import pallas as pl

_N_TYPES = 100000
_SEQ_LEN = 200
_DBLK = 2048


def _bow_block_kernel(tok_ref, val_ref, out_ref):
    j = pl.program_id(0)
    col = jax.lax.broadcasted_iota(jnp.int32, (_SEQ_LEN, _DBLK), 1)
    tokrel = tok_ref[:, :] - j * _DBLK
    out_ref[0, :, :] = jnp.where(col == tokrel, val_ref[:, :], 0.0)


def kernel(tokens, vals):
    tok2 = jnp.broadcast_to(tokens.astype(jnp.int32)[:, None], (_SEQ_LEN, _DBLK))
    val2 = jnp.broadcast_to(vals[:, None], (_SEQ_LEN, _DBLK))
    grid = (pl.cdiv(_N_TYPES, _DBLK),)
    out = pl.pallas_call(
        _bow_block_kernel,
        grid=grid,
        in_specs=[
            pl.BlockSpec((_SEQ_LEN, _DBLK), lambda j: (0, 0)),
            pl.BlockSpec((_SEQ_LEN, _DBLK), lambda j: (0, 0)),
        ],
        out_specs=pl.BlockSpec((1, _SEQ_LEN, _DBLK), lambda j: (0, 0, j)),
        out_shape=jax.ShapeDtypeStruct((1, _SEQ_LEN, _N_TYPES), jnp.float32),
    )(tok2, val2)
    return out.reshape(_SEQ_LEN, 1, _N_TYPES)

# --- scband reference (transcript-rebuilt; emitter-appended) ---
"""Pipeline reference for scband-bowfeatures-19928648253698 (READ-ONLY COPY).

The authoritative reference and input builder live on the scoring server;
editing this copy changes nothing except your own understanding.
"""

import jax, jax.numpy as jnp
import numpy as np

N_TYPES = 100000
WINDOW_SIZE = 0
DIM = (1 + 2 * WINDOW_SIZE) * N_TYPES
SEQ_LEN = 200

def setup_inputs(seed: int = 0):
    key = jax.random.key(seed)
    k1, k2 = jax.random.split(key)
    tokens = jax.random.randint(k1, (SEQ_LEN,), 0, N_TYPES)
    vals = jnp.ones((SEQ_LEN,), dtype=jnp.float32)
    return {"tokens": tokens, "vals": vals}

def reference(tokens, vals):
    # Faithful translation of BOWFeatures.forward: builds a one-hot
    # bag-of-words tensor of shape [len(tokens), 1, dim] where
    # output[n, 0, tokens[n]] = 1.0 (vals is the constant 1.0 per token,
    # matching data[0, w] = 1.0 in the original).
    L = tokens.shape[0]
    out = jnp.zeros((L, 1, DIM), dtype=jnp.float32)
    out = out.at[jnp.arange(L), 0, tokens].set(vals)
    return out

if __name__ == "__main__":
    import jax
    _d = setup_inputs()
    print(jax.jit(kernel)(*tuple(_d.values())))

</pallas_src>

<mosaic_0001>
module attributes {stable_mosaic.version = 14 : i64} {
  func.func @_bow_block_kernel(%arg0: i32, %arg1: memref<200x2048xi32, #tpu.memory_space<vmem>>, %arg2: memref<200x2048xf32, #tpu.memory_space<vmem>>, %arg3: memref<1x200x2048xf32, #tpu.memory_space<vmem>>) attributes {dimension_semantics = [#tpu.dimension_semantics<arbitrary>], iteration_bounds = array<i64: 49>, scalar_prefetch = 0 : i64, scratch_operands = 0 : i64, tpu.core_type = #tpu.core_type<tc>, window_params = [{pipeline_mode = #tpu.pipeline_mode<synchronous>, transform_indices = @transform_0, window_bounds = array<i64: 200, 2048>}, {pipeline_mode = #tpu.pipeline_mode<synchronous>, transform_indices = @transform_1, window_bounds = array<i64: 200, 2048>}, {transform_indices = @transform_2, window_bounds = array<i64: 1, 200, 2048>}]} {
    %iota3A = tpu.iota {dimensions = array<i32: 1>} : vector<200x2048xi32>
    %get3A = arith.constant 0 : index
    %get3A_0 = arith.constant 0 : index
    %get3A_1 = vector.load %arg1[%get3A, %get3A_0] : memref<200x2048xi32, #tpu.memory_space<vmem>>, vector<200x2048xi32>
    %mul3A = arith.constant 2048 : i32
    %mul3A_2 = arith.muli %arg0, %mul3A : i32
    %sub3A = vector.broadcast %mul3A_2 : i32 to vector<200x2048xi32>
    %sub3A_3 = arith.subi %get3A_1, %sub3A : vector<200x2048xi32>
    %eq3A = arith.cmpi eq, %iota3A, %sub3A_3 : vector<200x2048xi32>
    %get3A_4 = arith.constant 0 : index
    %get3A_5 = arith.constant 0 : index
    %get3A_6 = vector.load %arg2[%get3A_4, %get3A_5] : memref<200x2048xf32, #tpu.memory_space<vmem>>, vector<200x2048xf32>
    %jit3A = arith.constant 0.000000e+00 : f32
    %broadcast_in_dim3A = vector.broadcast %jit3A : f32 to vector<200x2048xf32>
    %select_n3A = arith.select %eq3A, %get3A_6, %broadcast_in_dim3A : vector<200x2048xi1>, vector<200x2048xf32>
    %swap3A = arith.constant 0 : index
    %swap3A_7 = arith.constant 0 : index
    %swap3A_8 = arith.constant 0 : index
    %swap3A_9 = vector.load %arg3[%swap3A, %swap3A_7, %swap3A_8] : memref<1x200x2048xf32, #tpu.memory_space<vmem>>, vector<1x200x2048xf32>
    %swap3A_10 = vector.shape_cast %swap3A_9 : vector<1x200x2048xf32> to vector<200x2048xf32>
    %swap3A_11 = vector.shape_cast %select_n3A : vector<200x2048xf32> to vector<1x200x2048xf32>
    tpu.vector_store %arg3[%swap3A, %swap3A_7, %swap3A_8], %swap3A_11 {strides = array<i32>} : memref<1x200x2048xf32, #tpu.memory_space<vmem>>, vector<1x200x2048xf32>,
    return
  }
  func.func @transform_0(%arg0: i32) -> (i32, i32) {
    %c0_i32 = arith.constant 0 : i32
    %c0_i32_0 = arith.constant 0 : i32
    %c0_i32_1 = arith.constant 0 : i32
    return %c0_i32, %c0_i32_0 : i32, i32
  }
  func.func @transform_1(%arg0: i32) -> (i32, i32) {
    %c0_i32 = arith.constant 0 : i32
    %c0_i32_0 = arith.constant 0 : i32
    %c0_i32_1 = arith.constant 0 : i32
    return %c0_i32, %c0_i32_0 : i32, i32
  }
  func.func @transform_2(%arg0: i32) -> (i32, i32, i32) {
    %c0_i32 = arith.constant 0 : i32
    %c0_i32_0 = arith.constant 0 : i32
    %c0_i32_1 = arith.constant 0 : i32
    return %c0_i32, %c0_i32_0, %arg0 : i32, i32, i32
  }
}

</mosaic_0001>

<sc_bundles>
// kernel: sparse-core-data-format-call.cloned.1.call-start
scs
called_computation_lowered:
.L_overlay_start_0:
0x0: {  	s2 =	sld [smem:$0x3FD9]  }
0x1: {  	s3 =	sld [smem:$0x3FFE];
	_ =	sdelay $0x1  }
0x2: {  	s1 =	srdreg.scid  }
0x3: {  	s0 =	sand.u32 $0x1, s1  }
0x4: {  	s18 =	sshll.u32 s0, $0xA;
	s2 =	sadd.s32 s3, s2  }
0x5: {  	s2 =	sadd.s32 s2, s18  }
0x6: {  	[smem:$0x3FC6] =	sst s2  }
0x7: {  	_ = 	snop  }
0x8: {  	s2 =	sld [smem:$0x3FD0];
	(tm) =	ssettm $0x1  }
0x9: {  	s19 =	sld [smem:$0x3FFB];
	_ =	sdelay $0x3  }
0xa: {  	_ =	strace s19  }
0xb: {  	s3 =	sld [smem:$0x3FFC];
	_ =	sdelay $0x3  }
0xc: {  	_ =	strace s3  }
0xd: {  	s3 =	sld [smem:$0x3FFD];
	_ =	sdelay $0x3  }
0xe: {  	_ =	strace s3  }
0xf: {  	_ =	strace $0x8FFFFFFF  }
0x10: {  	s20 =	sld [smem:$0x3FDB];
	_ =	sdelay $0x1  }
0x11: {  	s4 =	simm.s32 $_scs_section_size  }
0x12: {  	s5 =	simm.s32 $_size__tile_overlayer_lowered;
	s6 =	simm.s32 $_tile_overlayer_lowered  }
0x13: {  	s23 =	simm.s32 $0x1BFF;
	s22 =	sshll.u32 s6, $0x1;
	s3 =	sadd.s32 s4, s20  }
0x14: {  	s7 =	simm.s32 $0x0;
	s21 =	sshll.u32 s5, $0x1;
	s5 =	sadd.s32 s22, s3  }
0x15: {  	[timem:s7], [sflag:s23] =	dma.local [hbm:s5], s21  }
0x16: {  	_ =	swait.ge [sflag:s23], s21  }
0x17: {  	s4 =	ssub.s32 $0x0, s21;
	[sflag:s23] =	ssyncset.done $0x0  }
0x18: {  	[sflag:s23] =	ssyncadd.s32 s4;
	_ =	sdelay $0x1  }
0x19: {  	s24 =	simm.s32 $0x1B8B  }
0x1a: {  	_ =	swait.ge [sflag:s24], $0x1  }
0x1b: {  	[sflag:s24] =	ssyncset.done $0x0  }
0x1c: {  	s26 =	simm.s32 $0x1B8E;
	s25 =	sld [smem:$0x3FFE];
	[sflag:s24] =	ssyncadd.s32 $0xFFFFFFFF  }
0x1d: {  	s27 =	simm.s32 $execute0_lowered;
	[smem:$0x3FD2] =	sst s26  }
0x1e: {  	s5 =	sshll.u32 s27, $0x1;
	_ =	strace $0x80000046;
	[dreg:$0x1] =	wrdreg $0xFFFFFFFF  }
0x1f: {  	s28 =	simm.s32 $_size_execute0_lowered;
	s3 =	sadd.s32 s3, s5;
	[dreg:$0x0] =	wrdreg $0x0  }
0x20: {  	s5 =	sshll.u32 s28, $0x1;
	[dreg:$0x2] =	wrdreg s3  }
0x21: {  	[dreg:$0x3] =	wrdreg s5  }
0x22: {  	[dreg:$0x4] =	wrdreg $0xC0  }
0x23: {  	_ =	task [dreg:s7], $0x5FFFF  }
0x24: {  	[dreg:$0x1] =	wrdreg $0xFFFFFFFF  }
0x25: {  	[dreg:$0x0] =	wrdreg $0x60  }
0x26: {  	[dreg:$0x2] =	wrdreg s25  }
0x27: {  	[dreg:$0x3] =	wrdreg s2  }
0x28: {  	[dreg:$0x4] =	wrdreg $0x9  }
0x29: {  	_ =	task.clear_ibuf [dreg:s7], $0x5FFFF;
	_ =	strace $0x90000046  }
0x2a: {  	s29 =	simm.s32 $0x9;
	_ =	strace $0x80000048  }
0x2b: {  	_ =	swait.ge [sflag:s29], $0x1  }
0x2c: {  	[sflag:s29] =	ssyncadd.s32 $0xFFFFFFFF  }
0x2d: {  	_ =	strace $0x90000048  }
0x2e: {  	_ =	sfence  }
0x2f: {  	s30 =	sld [smem:$0x0];
	_ =	sdelay $0x2  }
0x30: {  	s31 =	sshll.u32 s1, $0xD;
	s1 =	sshrl.u32 s1, $0x2  }
0x31: {  	s3 =	sand.u32 $0x4000, s31;
	s1 =	sadd.s32 s1, s30  }
0x32: {  	s0 =	sor.u32 s3, s0;
	s1 =	sshll.u32 s1, $0x11  }
0x33: {  	s0 =	sor.u32 s1, s0  }
0x34: {  	s0 =	sadd.s32 $0x8F2B, s0  }
0x35: {  	[sflag:s0] =	ssyncadd.remote.s32 $0x1  }
0x36: {  	_ =	sfence.sel $0xFFFF  }
0x37: {  	[dreg:$0x0] =	wrdreg $0xFFFFFFFF;
	(pc) =	sbr.abs _section_cstart, $3  }
0x38: {  	[dreg:$0x1] =	wrdreg $0xFFFFFFFF  }
0x39: {  	_ =	task.clear_ibuf [dreg:s7], $0x2FFFF;
	_ =	strace $0x9FFFFFFF  }
0x3a: {  	(tm) =	ssettm $0x7FFFFFFF  }
0x3b: {  	_ =	shalt  }
tec
execute0_lowered:
.L_overlay_start_1:
0x0: {  	(tag) =	ssettag $0x1  }
0x1: {  	s1 =	rddreg [dreg:$0x0];
	s0 =	stileid.u32  }
0x2: {  	s3 =	srdreg.scid;
	_ =	strace $0x80000047;
	s5 =	simm.s32 $0x1  }
0x3: {  	s8 =	simm.s32 $0x2;
	s15 =	simm.s32 $0x0;
	s9 =	simm.s32 $0x18700  }
0x4: {  	s16 =	simm.s32 $0x0;
	s7 =	sshll.u32 s0, $0x6;
	s3 =	sshll.u32 s3, $0xA  }
.Ltmp0:
0x5: {  	s10 =	simm.s32 $0x0;
	s3 =	sor.u32 s7, s3;
	(pc) =	sbr.rel .LBB1_1-.Ltmp0, $4  }
0x6: {  	s12 =	simm.s32 $0x0;
	s14 =	simm.s32 $0x0;
	s3 =	sand.u32 $0x700, s3  }
0x7: {  	s4 =	sadd.s32 $0x400, s1;
	[sflag:s5] =	ssyncpa.u1 $0x0;
	s31 =	ssub.s32 $0x18600, s3  }
0x8: {  	s7 =	sand.u32 $0xC0, s7;
	[sflag:s8] =	ssyncpa.u1 $0x0;
	s6 =	sshrl.u32 s31, $0xB  }
0x9: {  	s13 =	smov.u32 s7;
	s11 =	smov.u32 s3;
	s8 =	sadd.s32 $0x2, s6  }
.LBB1_12:
0xa: {  	s0 =	smulhi.u32 $0xA79C7B17, s10;
	_ =	sdelay $0x1  }
0xb: {  	s0 =	sshrl.u32 s0, $0x10  }
0xc: {  	s0 =	smul.u32 $0x18700, s0;
	_ =	sdelay $0x1  }
0xd: {  	s1 =	smul.u32 $0x30E0, s12;
	s0 =	ssub.s32 s10, s0  }
0xe: {  	s19 =	rddreg [dreg:$0x1];
	s2 =	sand.u32 $0x7, s0  }
0xf: {  	s1 =	sadd.s32 s19, s1;
	s0 =	sshrl.u32 s0, $0x3;
	s2 =	sshll.u32 s2, $0x12  }
0x10: {  	s0 =	sadd.s32 s0, s1;
	s31 =	sor.u32 $0x100, s2  }
0x11: {  	[hbm4b:s0+s31] =	stream.strided.scatter [tilespmem:s18], [sflag:$0x2], s17, s9, s31, $0x38;
	[tilespmem:$0x10000] =	vst v63  }
.LBB1_13:
0x12: {  	p0 =	slt.u32 s14, $0x2  }
0x13: {  	s1 =	smov.u32 s16;
	s2 =	smov.u32 s15;
	p1 =	sgt.s32 @!p0 s16, $0x88  }
0x14: {  	s0 =	sshra.s32 @!p0 s16, $0x1F;
	p2 =	sgt.s32 @!p0 s15, $0x18600;
	p1 =	por !p1, p0  }
0x15: {  	s0 =	sand.u32 @!p0 s0, s16;
	p2 =	por !p2, p0;
	s16 =	sshra.s32 @!p0 s15, $0x1F  }
0x16: {  	s1 =	simm.s32 @p1 $0x88;
	s2 =	simm.s32 @p2 $0x18600;
	s15 =	sand.u32 @!p0 s16, s15  }
0x17: {  	s0 =	ssub.s32 @!p0 s1, s0;
	s1 =	ssub.s32 @!p0 s2, s15  }
0x18: {  	s2 =	sadd.s32 @!p0 $0xFFFFFF78, s0;
	s15 =	sadd.s32 @!p0 $0xFFFE7A00, s1  }
0x19: {  	s0 =	ssub.s32 @!p0 $0xC8, s0;
	p1 =	sgt.s32 @!p0 s2, $0x3F;
	p2 =	sgt.s32 @!p0 s15, $0xFF  }
0x1a: {  	s1 =	ssub.s32 @!p0 $0x18700, s1;
	p1 =	por !p1, p0;
	p2 =	por !p2, p0  }
0x1b: {  	s0 =	simm.s32 @!p1 $0x0;
	s1 =	simm.s32 @!p2 $0x0  }
0x1c: {  	s0 =	smul.u32 @!p0 s0, s1;
	s1 =	sadd.s32 $0x800, s11  }
0x1d: {  	s17 =	smov.u32 s13;
	s15 =	sadd.s32 $0x100, s13;
	p1 =	sgt.s32 s1, $0x1869F  }
0x1e: {  	s17 =	smov.u32 @p1 s15  }
0x1f: {  	s1 =	smov.u32 @p1 s3;
	p1 =	sgt.s32 s17, $0xC7  }
0x20: {  	s17 =	smov.u32 @p1 s7;
	p1 =	sne.s32 s14, s8  }
.Ltmp1:
0x21: {  	s16 =	smov.u32 s12;
	(pc) =	sbr.rel @!p1 .LBB1_14-.Ltmp1, $4  }
0x22: {  	s12 =	smov.u32 s13;
	s2 =	simm.s32 @!p0 $0x2;
	s0 =	sand.u32 @!p0 $0x3FFFFFFF, s0  }
0x23: {  	s15 =	smov.u32 s10;
	s10 =	smov.u32 s11;
	_ =	swait.ge @!p0 [sflag:s2], s0  }
0x24: {  	s0 =	ssub.s32 @!p0 $0x0, s0;
	s11 =	smov.u32 s1;
	[sflag:s2] =	ssyncset.done @!p0 $0x0  }
0x25: {  	s14 =	sadd.s32 $0x1, s14;
	[sflag:s2] =	ssyncadd.s32 @!p0 s0;
	s13 =	smov.u32 s17  }
.LBB1_1:
0x26: {  	p0 =	sgt.u32 s14, s6  }
0x27: {  	s20 =	smov.u32 s13;
	s1 =	sshrl.u32 @!p0 s13, $0x3  }
0x28: {  	s17 =	sshll.u32 @!p0 s11, $0x3;
	s18 =	sshll.u32 @!p0 s13, $0x7;
	s1 =	smul.u32 @!p0 $0xC3800, s1  }
0x29: {  	p1 =	sgt.s32 @!p0 s13, $0x88;
	s21 =	sshra.s32 @!p0 s13, $0x1F;
	s17 =	sand.u32 @!p0 $0xFFFFFC00, s17  }
0x2a: {  	s22 =	sshra.s32 @!p0 s11, $0x1F;
	s1 =	sadd.s32 @!p0 s1, s17;
	s17 =	sand.u32 @!p0 $0x380, s18  }
0x2b: {  	p1 =	por !p1, p0;
	s21 =	sand.u32 @!p0 s21, s13;
	s1 =	sor.u32 @!p0 s17, s1  }
0x2c: {  	s22 =	sand.u32 @!p0 s22, s11;
	s20 =	simm.s32 @p1 $0x88;
	s17 =	smulhi.u32 @!p0 $0xA79C7B17, s1  }
0x2d: {  	p1 =	sgt.s32 @!p0 s11, $0x18600;
	s18 =	sand.u32 @!p0 $0x7F, s11;
	s20 =	ssub.s32 @!p0 s20, s21  }
0x2e: {  	p1 =	por !p1, p0;
	s21 =	smov.u32 s11;
	s19 =	sshrl.u32 @!p0 s17, $0x13  }
0x2f: {  	s21 =	simm.s32 @p1 $0x18600;
	s1 =	sor.u32 @!p0 s18, s1;
	s18 =	smul.u32 @!p0 $0x147B, s19  }
0x30: {  	s21 =	ssub.s32 @!p0 s21, s22  }
0x31: {  	s22 =	sadd.s32 @!p0 $0xFFFFFF78, s20;
	s19 =	smulhi.u32 @!p0 $0xA79C7B17, s1;
	s18 =	sshrl.u32 @!p0 s18, $0x11  }
0x32: {  	p1 =	sgt.s32 @!p0 s22, $0x3F;
	s18 =	smul.u32 @!p0 $0xC8, s18  }
0x33: {  	s20 =	ssub.s32 @!p0 $0xC8, s20;
	s17 =	sshrl.u32 @!p0 s17, $0x10;
	p1 =	por !p1, p0  }
0x34: {  	s19 =	sshrl.u32 @!p0 s19, $0x10;
	s17 =	ssub.s32 @!p0 s17, s18;
	s18 =	sadd.s32 @!p0 $0xFFFE7A00, s21  }
0x35: {  	s20 =	simm.s32 @!p1 $0x0;
	s19 =	smul.u32 @!p0 $0x18700, s19;
	p2 =	sgt.s32 @!p0 s18, $0xFF  }
0x36: {  	s21 =	ssub.s32 @!p0 $0x18700, s21;
	s17 =	sand.u32 @!p0 $0xFFFF, s17;
	p2 =	por !p2, p0  }
0x37: {  	s18 =	sxor.u32 @!p0 $0xFFFFFFFF, s14;
	s17 =	smul.u32 @!p0 $0x30E0, s17;
	s21 =	simm.s32 @!p2 $0x0  }
0x38: {  	s1 =	ssub.s32 @!p0 s1, s19;
	s18 =	sshll.u32 @!p0 s18, $0xE;
	s19 =	smul.u32 @!p0 s20, s21  }
0x39: {  	s18 =	sand.u32 @!p0 $0x4000, s18;
	s20 =	sshrl.u32 @!p0 s1, $0x3;
	s1 =	sand.u32 @!p0 $0x7, s1  }
0x3a: {  	s20 =	sadd.s32 @!p0 s4, s20;
	s1 =	sshll.u32 @!p0 s1, $0x12;
	s19 =	sand.u32 @!p0 $0x3FFFFFFF, s19  }
0x3b: {  	s17 =	sadd.s32 @!p0 s17, s20;
	s1 =	sor.u32 @!p0 $0x800, s1;
	s20 =	simm.s32 @!p0 $0xC3800  }
0x3c: {  	[tilespmem:s18], [sflag:$0x1] =	stream.strided.gather @!p0 [hbm4b:s17+s1], s19, s20, s1, $0x38;
	[tilespmem:$0x10000] =	vst v63  }
0x3d: {  	p0 =	seq.s32 s14, $0x0  }
0x3e: {  	p1 =	sge.u32 @!p0 s14, s8  }
0x3f: {  	p0 =	por p0, p1  }
.Ltmp2:
0x40: {  	_ = 	snop;
	(pc) =	sbr.rel @p0 .LBB1_13-.Ltmp2, $1  }
0x41: {  	_ =	sdelay $0x3  }
0x42: {  	p0 =	sgt.s32 s12, $0x88  }
0x43: {  	s1 =	smov.u32 s12;
	s17 =	sshra.s32 s12, $0x1F;
	s18 =	smov.u32 s10  }
0x44: {  	s19 =	sshra.s32 s10, $0x1F;
	s1 =	simm.s32 @!p0 $0x88;
	p0 =	sgt.s32 s10, $0x18600  }
0x45: {  	s17 =	sand.u32 s17, s12;
	s30 =	sand.u32 s19, s10;
	s18 =	simm.s32 @!p0 $0x18600  }
0x46: {  	s1 =	ssub.s32 s1, s17;
	s17 =	ssub.s32 s18, s30  }
0x47: {  	s31 =	sadd.s32 $0xFFFFFF78, s1;
	s1 =	ssub.s32 $0xC8, s1;
	s18 =	sadd.s32 $0xFFFE7A00, s17  }
0x48: {  	p0 =	sgt.s32 s31, $0x3F;
	p1 =	sgt.s32 s18, $0xFF;
	s18 =	sadd.s32 $0x40, s12  }
0x49: {  	s1 =	simm.s32 @p0 $0x0;
	p0 =	slt.s32 s18, $0xC8  }
0x4a: {  	s17 =	ssub.s32 $0x18700, s17;
	s18 =	simm.s32 @!p0 $0xC8  }
0x4b: {  	s17 =	simm.s32 @p1 $0x0;
	s19 =	ssub.s32 s18, s12  }
0x4c: {  	s1 =	smul.u32 s1, s17;
	p0 =	slt.s32 s19, $0x1  }
.Ltmp3:
0x4d: {  	_ = 	snop;
	(pc) =	sbr.rel @p0 .LBB1_12-.Ltmp3, $4  }
0x4e: {  	s17 =	sand.u32 $0x3FFFFFFF, s1  }
0x4f: {  	s20 =	sshll.u32 s14, $0xE;
	_ =	swait.ge [sflag:s5], s17  }
0x50: {  	s20 =	sand.u32 $0x4000, s20;
	s1 =	ssub.s32 $0x0, s17;
	[sflag:s5] =	ssyncset.done $0x0  }
0x51: {  	s18 =	sor.u32 $0x8000, s20;
	[sflag:s5] =	ssyncadd.s32 s1  }
0x52: {  	s1 =	sadd.s32 $0x100, s10  }
0x53: {  	p0 =	slt.s32 s1, $0x186A0  }
0x54: {  	s1 =	simm.s32 @!p0 $0x186A0  }
.Ltmp4:
0x55: {  	s1 =	ssub.s32 s1, s10;
	(pc) =	sbr.rel .LBB1_4-.Ltmp4, $4  }
0x56: {  	s24 =	sadd.s32 $0xF, s1  }
0x57: {  	s25 =	simm.s32 $0x0;
	s21 =	sand.u32 $0xFFFFFFF0, s24  }
0x58: {  	s1 =	sshll.u32 s24, $0x3;
	s22 =	sand.u32 $0xFFFFFF00, s24;
	p0 =	slt.s32 s24, $0x100  }
0x59: {  	s23 =	sand.u32 $0xFFFFF800, s1;
	s1 =	simm.s32 $0x0;
	p1 =	sge.s32 s22, s21  }
.LBB1_11:
0x5a: {  	s25 =	sadd.s32 $0x1, s25  }
0x5b: {  	p2 =	sne.s32 s25, s19  }
.Ltmp5:
0x5c: {  	_ = 	snop;
	(pc) =	sbr.rel @!p2 .LBB1_12-.Ltmp5, $2  }
0x5d: {  	_ =	sdelay $0x2  }
0x5e: {  	s1 =	sadd.s32 $0x100, s1  }
.LBB1_4:
.Ltmp6:
0x5f: {  	(pc) =	sbr.rel @p0 .LBB1_8-.Ltmp6, $2  }
0x60: {  	_ =	sdelay $0x2  }
0x61: {  	s26 =	sshll.u32 s25, $0x7  }
0x62: {  	s29 =	sand.u32 $0x380, s26  }
0x63: {  	v1 =	vmov s29  }
0x64: {  	s24 =	sshll.u32 s25, $0x8;
	s30 =	sand.u32 $0x80, s26  }
0x65: {  	s27 =	sadd.s32 s24, s18;
	s24 =	sor.u32 $0x400, s24;
	v0 =	vmov s30  }
0x66: {  	s29 =	sand.u32 $0x3C00, s24  }
0x67: {  	s30 =	sand.u32 $0x3800, s1;
	s29 =	sadd.s32 s29, s20  }
0x68: {  	s28 =	sand.u32 $0x300, s26;
	s30 =	sadd.s32 s30, s20;
	v2 =	vld.idx.msk [tilespmem:v1+s29+$0x0 ss:$0x1], $0xffff  }
0x69: {  	s29 =	sadd.s32 s28, s29;
	v4 =	vld.idx.msk [tilespmem:v1+s30+$0x0 ss:$0x1], $0xffff  }
0x6a: {  	s30 =	sadd.s32 s28, s30;
	v3 =	vld.idx.msk [tilespmem:v0+s29+$0x70 ss:$0x1], $0xffff  }
0x6b: {  	v5 =	vld.idx.msk [tilespmem:v0+s30+$0x70 ss:$0x1], $0xffff  }
0x6c: {  	v8 =	vld.idx.msk [tilespmem:v0+s30+$0x10 ss:$0x1], $0xffff  }
0x6d: {  	v9 =	vld.idx.msk [tilespmem:v0+s30+$0x20 ss:$0x1], $0xffff  }
0x6e: {  	v10 =	vld.idx.msk [tilespmem:v0+s30+$0x30 ss:$0x1], $0xffff;
	[tilespmem:s27+$0x80] =	vst v2  }
0x6f: {  	v11 =	vld.idx.msk [tilespmem:v0+s30+$0x40 ss:$0x1], $0xffff;
	[tilespmem:s27+$0x0] =	vst v4  }
0x70: {  	p2 =	sgt.s32 s22, $0x100;
	v7 =	vld.idx.msk [tilespmem:v0+s30+$0x50 ss:$0x1], $0xffff;
	[tilespmem:s27+$0xF0] =	vst v3  }
.Ltmp7:
0x71: {  	v6 =	vld.idx.msk [tilespmem:v0+s30+$0x60 ss:$0x1], $0xffff;
	[tilespmem:s27+$0x70] =	vst v5;
	(pc) =	sbr.rel @!p2 .LBB1_7-.Ltmp7, $4  }
0x72: {  	v2 =	vld.idx.msk [tilespmem:v0+s29+$0x20 ss:$0x1], $0xffff;
	[tilespmem:s27+$0x10] =	vst v8  }
0x73: {  	v3 =	vld.idx.msk [tilespmem:v0+s29+$0x10 ss:$0x1], $0xffff;
	[tilespmem:s27+$0x20] =	vst v9  }
0x74: {  	v4 =	vld.idx.msk [tilespmem:v0+s29+$0x30 ss:$0x1], $0xffff;
	[tilespmem:s27+$0x30] =	vst v10  }
0x75: {  	s31 =	sadd.s32 $0x800, s24;
	s24 =	smov.u32 s1;
	s30 =	simm.s32 $0x100;
	[tilespmem:s27+$0x40] =	vst v11;
	v5 =	vld.idx.msk [tilespmem:v0+s29+$0x40 ss:$0x1], $0xffff  }
.LBB1_6:
0x76: {  	s0 =	sand.u32 $0x3C00, s31;
	[tilespmem:s27+$0x50] =	vst v7;
	v7 =	vld.idx.msk [tilespmem:v0+s29+$0x50 ss:$0x1], $0xffff  }
0x77: {  	s24 =	sadd.s32 $0x800, s24;
	s0 =	sadd.s32 s0, s20;
	[tilespmem:s27+$0x60] =	vst v6;
	v6 =	vld.idx.msk [tilespmem:v0+s29+$0x60 ss:$0x1], $0xffff  }
0x78: {  	s30 =	sadd.s32 $0x100, s30;
	s2 =	sand.u32 $0x3800, s24;
	v8 =	vld.idx.msk [tilespmem:v1+s0+$0x0 ss:$0x1], $0xffff;
	s29 =	sadd.s32 s28, s0;
	[tilespmem:s27+$0x90] =	vst v3  }
0x79: {  	p2 =	slt.s32 s30, s22;
	s0 =	sadd.s32 s2, s20;
	v3 =	vld.idx.msk [tilespmem:v0+s29+$0x70 ss:$0x1], $0xffff;
	[tilespmem:s27+$0xA0] =	vst v2  }
0x7a: {  	v2 =	vld.idx.msk [tilespmem:v1+s0+$0x0 ss:$0x1], $0xffff;
	s0 =	sadd.s32 s28, s0;
	[tilespmem:s27+$0xB0] =	vst v4  }
0x7b: {  	v4 =	vld.idx.msk [tilespmem:v0+s0+$0x70 ss:$0x1], $0xffff;
	[tilespmem:s27+$0xC0] =	vst v5  }
0x7c: {  	v5 =	vld.idx.msk [tilespmem:v0+s0+$0x10 ss:$0x1], $0xffff;
	[tilespmem:s27+$0xD0] =	vst v7  }
0x7d: {  	v9 =	vld.idx.msk [tilespmem:v0+s0+$0x20 ss:$0x1], $0xffff;
	[tilespmem:s27+$0xE0] =	vst v6  }
0x7e: {  	v10 =	vld.idx.msk [tilespmem:v0+s0+$0x30 ss:$0x1], $0xffff;
	[tilespmem:s27+$0x80] =	vst v8  }
0x7f: {  	v8 =	vld.idx.msk [tilespmem:v0+s0+$0x40 ss:$0x1], $0xffff;
	[tilespmem:s27+$0xF0] =	vst v3  }
0x80: {  	[tilespmem:s27+$0x0] =	vst v2;
	v7 =	vld.idx.msk [tilespmem:v0+s0+$0x50 ss:$0x1], $0xffff  }
.Ltmp8:
0x81: {  	v6 =	vld.idx.msk [tilespmem:v0+s0+$0x60 ss:$0x1], $0xffff;
	[tilespmem:s27+$0x70] =	vst v4;
	(pc) =	sbr.rel @p2 .LBB1_6-.Ltmp8, $4  }
0x82: {  	[tilespmem:s27+$0x10] =	vst v5;
	v3 =	vld.idx.msk [tilespmem:v0+s29+$0x10 ss:$0x1], $0xffff  }
0x83: {  	[tilespmem:s27+$0x20] =	vst v9;
	v2 =	vld.idx.msk [tilespmem:v0+s29+$0x20 ss:$0x1], $0xffff  }
0x84: {  	[tilespmem:s27+$0x30] =	vst v10;
	v4 =	vld.idx.msk [tilespmem:v0+s29+$0x30 ss:$0x1], $0xffff  }
0x85: {  	s31 =	sadd.s32 $0x800, s31;
	[tilespmem:s27+$0x40] =	vst v8;
	v5 =	vld.idx.msk [tilespmem:v0+s29+$0x40 ss:$0x1], $0xffff  }
.LBB1_7:
0x86: {  	_ =	sdelay $0x2  }
0x87: {  	[tilespmem:s27+$0x50] =	vst v7  }
0x88: {  	v1 =	vld.idx.msk [tilespmem:v0+s29+$0x50 ss:$0x1], $0xffff;
	[tilespmem:s27+$0x60] =	vst v6  }
0x89: {  	v63 =	vld.idx.msk [tilespmem:v0+s29+$0x60 ss:$0x1], $0xffff;
	[tilespmem:s27+$0x90] =	vst v3  }
0x8a: {  	[tilespmem:s27+$0xA0] =	vst v2  }
0x8b: {  	[tilespmem:s27+$0xB0] =	vst v4  }
0x8c: {  	[tilespmem:s27+$0xC0] =	vst v5  }
0x8d: {  	[tilespmem:s27+$0xD0] =	vst v1  }
0x8e: {  	[tilespmem:s27+$0xE0] =	vst v63  }
.LBB1_8:
.Ltmp9:
0x8f: {  	(pc) =	sbr.rel @p1 .LBB1_11-.Ltmp9, $1  }
0x90: {  	_ =	sdelay $0x3  }
0x91: {  	s24 =	sshll.u32 s25, $0xA  }
0x92: {  	s27 =	sand.u32 $0x3800, s1;
	s28 =	sand.u32 $0x300, s26;
	s24 =	sshra.s32 s24, $0x2  }
0x93: {  	s31 =	sand.u32 $0x80, s26;
	s28 =	sadd.s32 s28, s20;
	s29 =	sadd.s32 s24, s18  }
0x94: {  	s24 =	sadd.s32 s27, s23;
	s26 =	sadd.s32 s31, s28;
	s27 =	smov.u32 s22;
	v0 =	vmov s29  }
.LBB1_10:
0x95: {  	s0 =	sand.u32 $0x3C00, s24  }
0x96: {  	s2 =	sand.u32 $0x70, s27;
	s0 =	sadd.s32 s0, s26  }
0x97: {  	s31 =	sand.u32 $0xF0, s27;
	s27 =	sadd.s32 $0x10, s27;
	s0 =	sadd.s32 s2, s0  }
0x98: {  	p2 =	slt.s32 s27, s21;
	v1 =	vld [tilespmem:s0+$0x0]  }
.Ltmp10:
0x99: {  	_ = 	snop;
	(pc) =	sbr.rel @p2 .LBB1_10-.Ltmp10, $2  }
0x9a: {  	_ =	sdelay $0x2  }
0x9b: {  	s24 =	sadd.s32 $0x80, s24;
	[tilespmem:v0+s31+$0x0 ss:$0x1] =	vst.idx.msk $0xffff, v1  }
.Ltmp11:
0x9c: {  	_ = 	snop;
	(pc) =	sbr.rel .LBB1_11-.Ltmp11, $1  }
0x9d: {  	_ =	sdelay $0x3  }
.LBB1_14:
0x9e: {  	_ =	sfence.sel $0x180000  }
0x9f: {  	s0 =	simm.s32 $0x1;
	[bflag:$0x0] =	sbarrier.arrive $0xFFFF  }
0xa0: {  	s30 =	simm.s32 $0x2;
	[sflag:s0] =	ssyncpa.u1 $0x1  }
0xa1: {  	[sflag:s30] =	ssyncpa.u1 $0x1  }
0xa2: {  	_ =	strace $0x90000047  }
0xa3: {  	s31 =	stileid.u32;
	[bflag:$0x2] =	sbarrier.arrive $0xFFFF  }
0xa4: {  	p0 =	sne.s32 s31, $0x0;
	s0 =	rddreg [dreg:$0x2]  }
0xa5: {  	s0 =	sadd.s32 @!p0 $0x100000, s0  }
0xa6: {  	[sflag:s0] =	ssyncadd.tile.s32 @!p0 $0x1;
	_ =	shalt  }
.Lfunc_end1:
_tile_overlayer_lowered:
.L_overlay_start_2:
0xa7: {  	(tag) =	ssettag $0x2  }
0xa8: {  	s0 =	rddreg [dreg:$0x0];
	s2 =	stileid.u32  }
0xa9: {  	s1 =	rddreg [dreg:$0x1];
	p0 =	sne.s32 s2, $0x0  }
0xaa: {  	s3 =	rddreg [dreg:$0x2];
	[bflag:$0x3] =	sbarrier.arrive $0xFFFF;
	s2 =	simm.s32 @!p0 $0x1C01  }
0xab: {  	[timem:s3], [sflag:s2] =	dma.local @!p0 [hbm:s0], s1  }
0xac: {  	s0 =	simm.s32 @!p0 $0x1  }
0xad: {  	_ =	swait.ge @!p0 [sflag:s0], s1  }
0xae: {  	s1 =	ssub.s32 @!p0 $0x0, s1;
	[sflag:s0] =	ssyncset.done @!p0 $0x0  }
0xaf: {  	[sflag:s0] =	ssyncadd.s32 @!p0 s1  }
0xb0: {  	[bflag:$0x3] =	sbarrier.arrive $0xFFFF  }
0xb1: {  	_ =	shalt  }

</sc_bundles>
